<compile_context>
chip_gen: v7x
topology: tpu7x:2x2x1
jax: 0.10.2.dev20260603
libtpu: 0.0.44.dev20260713+nightly
codegen_flags: <defaults>
</compile_context>

<pallas_src>
import jax
import jax.numpy as jnp
from jax import lax
from jax.experimental import pallas as pl
from jax.experimental.pallas import tpu as pltpu
from jax.experimental.pallas import tpu_sc as plsc

_B = 1000
_NW = 32


def _gather_body(table_hbm, idx_hbm, out_hbm, idx_v, rows_v, sem):
    b_per_w = idx_hbm.shape[0] // _NW
    wid = lax.axis_index("s") * 2 + lax.axis_index("c")
    base = wid * b_per_w
    pltpu.sync_copy(idx_hbm.at[pl.ds(base, b_per_w)], idx_v)
    pltpu.make_async_copy(table_hbm.at[idx_v], rows_v, sem).start()
    pltpu.make_async_copy(table_hbm.at[idx_v], rows_v, sem).wait()
    pltpu.sync_copy(rows_v, out_hbm.at[pl.ds(base, b_per_w)])


def _sc_gather(table, obj_ids):
    N, E = table.shape
    Bp = ((N - 1) // (8 * _NW) + 1) * (8 * _NW)
    idx = jnp.pad(obj_ids, (0, Bp - N))
    b_per_w = Bp // _NW
    mesh = plsc.VectorSubcoreMesh(core_axis_name="c", subcore_axis_name="s")
    emb = pl.kernel(
        _gather_body,
        out_type=jax.ShapeDtypeStruct((Bp, E), table.dtype),
        mesh=mesh,
        scratch_types=[
            pltpu.VMEM((b_per_w,), jnp.int32),
            pltpu.VMEM((b_per_w, E), table.dtype),
            pltpu.SemaphoreType.DMA,
        ],
        compiler_params=pltpu.CompilerParams(use_tc_tiling_on_sc=False),
    )(table, idx)
    return emb[:N]


def _interleave_kernel(states_ref, emb_ref, out_ref):
    e = emb_ref[...][:, 0, :]
    T = states_ref.shape[-1] // 128
    for k in range(T):
        out_ref[0, :, k * 160:k * 160 + 128] = states_ref[0, :, k * 128:(k + 1) * 128]
        out_ref[0, :, k * 160 + 128:(k + 1) * 160] = e


def kernel(states, table, obj_ids):
    Bt, N, T, D = states.shape
    E = table.shape[-1]
    emb = _sc_gather(table, obj_ids)
    flat = states.reshape(Bt, N, T * D)
    out = pl.pallas_call(
        _interleave_kernel,
        grid=(Bt, N // _B),
        in_specs=[
            pl.BlockSpec((1, _B, T * D), lambda i, j: (i, j, 0)),
            pl.BlockSpec((_B, 1, E), lambda i, j: (j, 0, 0)),
        ],
        out_specs=pl.BlockSpec((1, _B, T * (D + E)), lambda i, j: (i, j, 0)),
        out_shape=jax.ShapeDtypeStruct((Bt, N, T * (D + E)), states.dtype),
        compiler_params=pltpu.CompilerParams(
            dimension_semantics=("parallel", "parallel"),
            vmem_limit_bytes=100_000_000),
    )(flat, emb.reshape(N, 1, E))
    return out.reshape(Bt, N, T, D + E)

# --- scband reference (transcript-rebuilt; emitter-appended) ---
"""Pipeline reference for scband-node-id-1932735283518 (READ-ONLY COPY).

The authoritative reference and input builder live on the scoring server;
editing this copy changes nothing except your own understanding.
"""

import jax, jax.numpy as jnp
import numpy as np

N_OBJECTS = 1000
OBJ_ID_DIM = 32


def setup_inputs(seed: int = 0) -> dict:
    key = jax.random.key(seed)
    k1, k2 = jax.random.split(key)
    states = jax.random.normal(k1, (16, N_OBJECTS, 20, 128), dtype=jnp.float32)
    # learned parameter: nn.Embedding(n_objects, obj_id_dim) weight
    table = jax.random.normal(k2, (N_OBJECTS, OBJ_ID_DIM), dtype=jnp.float32) * 0.02
    # registered buffer obj_ids = arange(n_objects)
    obj_ids = jnp.arange(N_OBJECTS, dtype=jnp.int32)
    return {"states": states, "table": table, "obj_ids": obj_ids}


def reference(states, table, obj_ids):
    # embeddings = self.index_embedding(self.obj_ids)  -> [N, D]
    emb = jnp.take(table, obj_ids, axis=0)
    # [None, :, None] -> [1, N, 1, D], expand to states.shape[:-1] + (D,)
    emb = emb[None, :, None, :]
    emb = jnp.broadcast_to(emb, states.shape[:-1] + (table.shape[-1],))
    return jnp.concatenate([states, emb], axis=-1)

if __name__ == "__main__":
    import jax
    _d = setup_inputs()
    print(jax.jit(kernel)(*tuple(_d.values())))

</pallas_src>

<mosaic_0001>
#map = affine_map<(d0, d1) -> (0, 0)>
#map1 = affine_map<(d0, d1) -> (0)>
module attributes {stable_mosaic.version = 14 : i64} {
  func.func @_gather_body(%arg0: i32, %arg1: i32, %arg2: memref<1000x32xf32, #tpu.memory_space<hbm>>, %arg3: memref<1024xi32, #tpu.memory_space<hbm>>, %arg4: memref<1024x32xf32, #tpu.memory_space<hbm>>, %arg5: memref<32xi32, #tpu.memory_space<vmem>>, %arg6: memref<32x32xf32, #tpu.memory_space<vmem>>, %arg7: memref<!tpu.dma_semaphore, #tpu.memory_space<semaphore_mem>>) attributes {dimension_semantics = [#tpu.dimension_semantics<core_parallel>, #tpu.dimension_semantics<subcore_parallel>], iteration_bounds = array<i64: 2, 16>, scalar_prefetch = 0 : i64, scratch_operands = 3 : i64, tpu.core_type = #tpu.core_type<sc_vector_subcore>, window_params = [{transform_indices = #map}, {transform_indices = #map1}, {transform_indices = #map}]} {
    %mul3A = arith.constant 2 : i32
    %mul3A_0 = arith.muli %arg1, %mul3A : i32
    %add3A = arith.addi %mul3A_0, %arg0 : i32
    %mul3A_1 = arith.constant 32 : i32
    %mul3A_2 = arith.muli %add3A, %mul3A_1 : i32
    "tpu.region"() ({
      %run_scoped3A = tpu.sem_alloc : memref<!tpu.dma_semaphore, #tpu.memory_space<semaphore_mem>>
      %dma_start3A_7 = tpu.memref_slice %arg3[%mul3A_2] : memref<1024xi32, #tpu.memory_space<hbm>> -> memref<32xi32, #tpu.memory_space<hbm>>
      %dma_start3A_8 = tpu.memref_slice %arg3[%mul3A_2] : memref<1024xi32, #tpu.memory_space<hbm>> -> memref<32xi32, #tpu.memory_space<hbm>>
      tpu.enqueue_dma source(%dma_start3A_8 : memref<32xi32, #tpu.memory_space<hbm>>) target(%arg5 : memref<32xi32, #tpu.memory_space<vmem>>) target_semaphore(%run_scoped3A : memref<!tpu.dma_semaphore, #tpu.memory_space<semaphore_mem>>)
      %dma_wait3A_9 = tpu.memref_slice %arg3[%mul3A_2] : memref<1024xi32, #tpu.memory_space<hbm>> -> memref<32xi32, #tpu.memory_space<hbm>>
      %dma_wait3A_10 = tpu.memref_slice %arg3[%mul3A_2] : memref<1024xi32, #tpu.memory_space<hbm>> -> memref<32xi32, #tpu.memory_space<hbm>>
      tpu.wait_dma2 semaphore(%run_scoped3A : memref<!tpu.dma_semaphore, #tpu.memory_space<semaphore_mem>>) src(%dma_wait3A_10 : memref<32xi32, #tpu.memory_space<hbm>>) dst(%arg5 : memref<32xi32, #tpu.memory_space<vmem>>)
      tpu.yield
    }) : () -> ()
    %dma_start3A = arith.constant 0 : i32
    %dma_start3A_3 = arith.constant 0 : i32
    %dma_start3A_4 = tpu.memref_slice %arg2[%dma_start3A, %dma_start3A_3] : memref<1000x32xf32, #tpu.memory_space<hbm>> -> memref<1000x32xf32, #tpu.memory_space<hbm>>
    tpu.enqueue_indirect_dma source(%dma_start3A_4 : memref<1000x32xf32, #tpu.memory_space<hbm>>) target(%arg6 : memref<32x32xf32, #tpu.memory_space<vmem>>) offsets(%arg5 : memref<32xi32, #tpu.memory_space<vmem>>) semaphore(%arg7 : memref<!tpu.dma_semaphore, #tpu.memory_space<semaphore_mem>>)
    %dma_wait3A = arith.constant 0 : i32
    %dma_wait3A_5 = arith.constant 0 : i32
    %dma_wait3A_6 = tpu.memref_slice %arg2[%dma_wait3A, %dma_wait3A_5] : memref<1000x32xf32, #tpu.memory_space<hbm>> -> memref<1000x32xf32, #tpu.memory_space<hbm>>
    tpu.wait_indirect_dma semaphore(%arg7 : memref<!tpu.dma_semaphore, #tpu.memory_space<semaphore_mem>>) src(%dma_wait3A_6 : memref<1000x32xf32, #tpu.memory_space<hbm>>) dst(%arg6 : memref<32x32xf32, #tpu.memory_space<vmem>>)
    "tpu.region"() ({
      %run_scoped3A = tpu.sem_alloc : memref<!tpu.dma_semaphore, #tpu.memory_space<semaphore_mem>>
      %dma_start3A_7 = arith.constant 0 : i32
      %dma_start3A_8 = tpu.memref_slice %arg4[%mul3A_2, %dma_start3A_7] : memref<1024x32xf32, #tpu.memory_space<hbm>> -> memref<32x32xf32, #tpu.memory_space<hbm>>
      %dma_start3A_9 = arith.constant 0 : i32
      %dma_start3A_10 = tpu.memref_slice %arg4[%mul3A_2, %dma_start3A_9] : memref<1024x32xf32, #tpu.memory_space<hbm>> -> memref<32x32xf32, #tpu.memory_space<hbm>>
      tpu.enqueue_dma source(%arg6 : memref<32x32xf32, #tpu.memory_space<vmem>>) target(%dma_start3A_10 : memref<32x32xf32, #tpu.memory_space<hbm>>) target_semaphore(%run_scoped3A : memref<!tpu.dma_semaphore, #tpu.memory_space<semaphore_mem>>)
      %dma_wait3A_11 = arith.constant 0 : i32
      %dma_wait3A_12 = tpu.memref_slice %arg4[%mul3A_2, %dma_wait3A_11] : memref<1024x32xf32, #tpu.memory_space<hbm>> -> memref<32x32xf32, #tpu.memory_space<hbm>>
      %dma_wait3A_13 = arith.constant 0 : i32
      %dma_wait3A_14 = tpu.memref_slice %arg4[%mul3A_2, %dma_wait3A_13] : memref<1024x32xf32, #tpu.memory_space<hbm>> -> memref<32x32xf32, #tpu.memory_space<hbm>>
      tpu.wait_dma2 semaphore(%run_scoped3A : memref<!tpu.dma_semaphore, #tpu.memory_space<semaphore_mem>>) src(%arg6 : memref<32x32xf32, #tpu.memory_space<vmem>>) dst(%dma_wait3A_14 : memref<32x32xf32, #tpu.memory_space<hbm>>)
      tpu.yield
    }) : () -> ()
    return
  }
}

module attributes {stable_mosaic.version = 14 : i64} {
  func.func @_interleave_kernel(%arg0: i32, %arg1: i32, %arg2: memref<1x1000x2560xf32, #tpu.memory_space<vmem>>, %arg3: memref<1000x1x32xf32, #tpu.memory_space<vmem>>, %arg4: memref<1x1000x3200xf32, #tpu.memory_space<vmem>>) attributes {dimension_semantics = [#tpu.dimension_semantics<parallel>, #tpu.dimension_semantics<parallel>], iteration_bounds = array<i64: 16, 1>, scalar_prefetch = 0 : i64, scratch_operands = 0 : i64, tpu.core_type = #tpu.core_type<tc>, window_params = [{transform_indices = @transform_0, window_bounds = array<i64: 1, 1000, 2560>}, {transform_indices = @transform_1, window_bounds = array<i64: 1000, 1, 32>}, {transform_indices = @transform_2, window_bounds = array<i64: 1, 1000, 3200>}]} {
    %get3A = arith.constant 0 : index
    %get3A_0 = arith.constant 0 : index
    %get3A_1 = arith.constant 0 : index
    %get3A_2 = vector.load %arg3[%get3A, %get3A_0, %get3A_1] : memref<1000x1x32xf32, #tpu.memory_space<vmem>>, vector<1000x1x32xf32>
    %squeeze3A = vector.shape_cast %get3A_2 : vector<1000x1x32xf32> to vector<1000x32xf32>
    %get3A_3 = arith.constant 0 : index
    %get3A_4 = arith.constant 0 : index
    %get3A_5 = arith.constant 0 : index
    %get3A_6 = vector.load %arg2[%get3A_3, %get3A_4, %get3A_5] : memref<1x1000x2560xf32, #tpu.memory_space<vmem>>, vector<1x1000x128xf32>
    %get3A_7 = vector.shape_cast %get3A_6 : vector<1x1000x128xf32> to vector<1000x128xf32>
    %swap3A = arith.constant 0 : index
    %swap3A_8 = arith.constant 0 : index
    %swap3A_9 = arith.constant 0 : index
    %swap3A_10 = vector.load %arg4[%swap3A, %swap3A_8, %swap3A_9] : memref<1x1000x3200xf32, #tpu.memory_space<vmem>>, vector<1x1000x128xf32>
    %swap3A_11 = vector.shape_cast %swap3A_10 : vector<1x1000x128xf32> to vector<1000x128xf32>
    %swap3A_12 = vector.shape_cast %get3A_7 : vector<1000x128xf32> to vector<1x1000x128xf32>
    tpu.vector_store %arg4[%swap3A, %swap3A_8, %swap3A_9], %swap3A_12 {strides = array<i32>} : memref<1x1000x3200xf32, #tpu.memory_space<vmem>>, vector<1x1000x128xf32>,
    %swap3A_13 = arith.constant 0 : index
    %swap3A_14 = arith.constant 0 : index
    %swap3A_15 = arith.constant 128 : index
    %swap3A_16 = vector.load %arg4[%swap3A_13, %swap3A_14, %swap3A_15] : memref<1x1000x3200xf32, #tpu.memory_space<vmem>>, vector<1x1000x32xf32>
    %swap3A_17 = vector.shape_cast %swap3A_16 : vector<1x1000x32xf32> to vector<1000x32xf32>
    %swap3A_18 = vector.shape_cast %squeeze3A : vector<1000x32xf32> to vector<1x1000x32xf32>
    tpu.vector_store %arg4[%swap3A_13, %swap3A_14, %swap3A_15], %swap3A_18 {strides = array<i32>} : memref<1x1000x3200xf32, #tpu.memory_space<vmem>>, vector<1x1000x32xf32>,
    %get3A_19 = arith.constant 0 : index
    %get3A_20 = arith.constant 0 : index
    %get3A_21 = arith.constant 128 : index
    %get3A_22 = vector.load %arg2[%get3A_19, %get3A_20, %get3A_21] : memref<1x1000x2560xf32, #tpu.memory_space<vmem>>, vector<1x1000x128xf32>
    %get3A_23 = vector.shape_cast %get3A_22 : vector<1x1000x128xf32> to vector<1000x128xf32>
    %swap3A_24 = arith.constant 0 : index
    %swap3A_25 = arith.constant 0 : index
    %swap3A_26 = arith.constant 160 : index
    %swap3A_27 = vector.load %arg4[%swap3A_24, %swap3A_25, %swap3A_26] : memref<1x1000x3200xf32, #tpu.memory_space<vmem>>, vector<1x1000x128xf32>
    %swap3A_28 = vector.shape_cast %swap3A_27 : vector<1x1000x128xf32> to vector<1000x128xf32>
    %swap3A_29 = vector.shape_cast %get3A_23 : vector<1000x128xf32> to vector<1x1000x128xf32>
    tpu.vector_store %arg4[%swap3A_24, %swap3A_25, %swap3A_26], %swap3A_29 {strides = array<i32>} : memref<1x1000x3200xf32, #tpu.memory_space<vmem>>, vector<1x1000x128xf32>,
    %swap3A_30 = arith.constant 0 : index
    %swap3A_31 = arith.constant 0 : index
    %swap3A_32 = arith.constant 288 : index
    %swap3A_33 = vector.load %arg4[%swap3A_30, %swap3A_31, %swap3A_32] : memref<1x1000x3200xf32, #tpu.memory_space<vmem>>, vector<1x1000x32xf32>
    %swap3A_34 = vector.shape_cast %swap3A_33 : vector<1x1000x32xf32> to vector<1000x32xf32>
    %swap3A_35 = vector.shape_cast %squeeze3A : vector<1000x32xf32> to vector<1x1000x32xf32>
    tpu.vector_store %arg4[%swap3A_30, %swap3A_31, %swap3A_32], %swap3A_35 {strides = array<i32>} : memref<1x1000x3200xf32, #tpu.memory_space<vmem>>, vector<1x1000x32xf32>,
    %get3A_36 = arith.constant 0 : index
    %get3A_37 = arith.constant 0 : index
    %get3A_38 = arith.constant 256 : index
    %get3A_39 = vector.load %arg2[%get3A_36, %get3A_37, %get3A_38] : memref<1x1000x2560xf32, #tpu.memory_space<vmem>>, vector<1x1000x128xf32>
    %get3A_40 = vector.shape_cast %get3A_39 : vector<1x1000x128xf32> to vector<1000x128xf32>
    %swap3A_41 = arith.constant 0 : index
    %swap3A_42 = arith.constant 0 : index
    %swap3A_43 = arith.constant 320 : index
    %swap3A_44 = vector.load %arg4[%swap3A_41, %swap3A_42, %swap3A_43] : memref<1x1000x3200xf32, #tpu.memory_space<vmem>>, vector<1x1000x128xf32>
    %swap3A_45 = vector.shape_cast %swap3A_44 : vector<1x1000x128xf32> to vector<1000x128xf32>
    %swap3A_46 = vector.shape_cast %get3A_40 : vector<1000x128xf32> to vector<1x1000x128xf32>
    tpu.vector_store %arg4[%swap3A_41, %swap3A_42, %swap3A_43], %swap3A_46 {strides = array<i32>} : memref<1x1000x3200xf32, #tpu.memory_space<vmem>>, vector<1x1000x128xf32>,
    %swap3A_47 = arith.constant 0 : index
    %swap3A_48 = arith.constant 0 : index
    %swap3A_49 = arith.constant 448 : index
    %swap3A_50 = vector.load %arg4[%swap3A_47, %swap3A_48, %swap3A_49] : memref<1x1000x3200xf32, #tpu.memory_space<vmem>>, vector<1x1000x32xf32>
    %swap3A_51 = vector.shape_cast %swap3A_50 : vector<1x1000x32xf32> to vector<1000x32xf32>
    %swap3A_52 = vector.shape_cast %squeeze3A : vector<1000x32xf32> to vector<1x1000x32xf32>
    tpu.vector_store %arg4[%swap3A_47, %swap3A_48, %swap3A_49], %swap3A_52 {strides = array<i32>} : memref<1x1000x3200xf32, #tpu.memory_space<vmem>>, vector<1x1000x32xf32>,
    %get3A_53 = arith.constant 0 : index
    %get3A_54 = arith.constant 0 : index
    %get3A_55 = arith.constant 384 : index
    %get3A_56 = vector.load %arg2[%get3A_53, %get3A_54, %get3A_55] : memref<1x1000x2560xf32, #tpu.memory_space<vmem>>, vector<1x1000x128xf32>
    %get3A_57 = vector.shape_cast %get3A_56 : vector<1x1000x128xf32> to vector<1000x128xf32>
    %swap3A_58 = arith.constant 0 : index
    %swap3A_59 = arith.constant 0 : index
    %swap3A_60 = arith.constant 480 : index
    %swap3A_61 = vector.load %arg4[%swap3A_58, %swap3A_59, %swap3A_60] : memref<1x1000x3200xf32, #tpu.memory_space<vmem>>, vector<1x1000x128xf32>
    %swap3A_62 = vector.shape_cast %swap3A_61 : vector<1x1000x128xf32> to vector<1000x128xf32>
    %swap3A_63 = vector.shape_cast %get3A_57 : vector<1000x128xf32> to vector<1x1000x128xf32>
    tpu.vector_store %arg4[%swap3A_58, %swap3A_59, %swap3A_60], %swap3A_63 {strides = array<i32>} : memref<1x1000x3200xf32, #tpu.memory_space<vmem>>, vector<1x1000x128xf32>,
    %swap3A_64 = arith.constant 0 : index
    %swap3A_65 = arith.constant 0 : index
    %swap3A_66 = arith.constant 608 : index
    %swap3A_67 = vector.load %arg4[%swap3A_64, %swap3A_65, %swap3A_66] : memref<1x1000x3200xf32, #tpu.memory_space<vmem>>, vector<1x1000x32xf32>
    %swap3A_68 = vector.shape_cast %swap3A_67 : vector<1x1000x32xf32> to vector<1000x32xf32>
    %swap3A_69 = vector.shape_cast %squeeze3A : vector<1000x32xf32> to vector<1x1000x32xf32>
    tpu.vector_store %arg4[%swap3A_64, %swap3A_65, %swap3A_66], %swap3A_69 {strides = array<i32>} : memref<1x1000x3200xf32, #tpu.memory_space<vmem>>, vector<1x1000x32xf32>,
    %get3A_70 = arith.constant 0 : index
    %get3A_71 = arith.constant 0 : index
    %get3A_72 = arith.constant 512 : index
    %get3A_73 = vector.load %arg2[%get3A_70, %get3A_71, %get3A_72] : memref<1x1000x2560xf32, #tpu.memory_space<vmem>>, vector<1x1000x128xf32>
    %get3A_74 = vector.shape_cast %get3A_73 : vector<1x1000x128xf32> to vector<1000x128xf32>
    %swap3A_75 = arith.constant 0 : index
    %swap3A_76 = arith.constant 0 : index
    %swap3A_77 = arith.constant 640 : index
    %swap3A_78 = vector.load %arg4[%swap3A_75, %swap3A_76, %swap3A_77] : memref<1x1000x3200xf32, #tpu.memory_space<vmem>>, vector<1x1000x128xf32>
    %swap3A_79 = vector.shape_cast %swap3A_78 : vector<1x1000x128xf32> to vector<1000x128xf32>
    %swap3A_80 = vector.shape_cast %get3A_74 : vector<1000x128xf32> to vector<1x1000x128xf32>
    tpu.vector_store %arg4[%swap3A_75, %swap3A_76, %swap3A_77], %swap3A_80 {strides = array<i32>} : memref<1x1000x3200xf32, #tpu.memory_space<vmem>>, vector<1x1000x128xf32>,
    %swap3A_81 = arith.constant 0 : index
    %swap3A_82 = arith.constant 0 : index
    %swap3A_83 = arith.constant 768 : index
    %swap3A_84 = vector.load %arg4[%swap3A_81, %swap3A_82, %swap3A_83] : memref<1x1000x3200xf32, #tpu.memory_space<vmem>>, vector<1x1000x32xf32>
    %swap3A_85 = vector.shape_cast %swap3A_84 : vector<1x1000x32xf32> to vector<1000x32xf32>
    %swap3A_86 = vector.shape_cast %squeeze3A : vector<1000x32xf32> to vector<1x1000x32xf32>
    tpu.vector_store %arg4[%swap3A_81, %swap3A_82, %swap3A_83], %swap3A_86 {strides = array<i32>} : memref<1x1000x3200xf32, #tpu.memory_space<vmem>>, vector<1x1000x32xf32>,
    %get3A_87 = arith.constant 0 : index
    %get3A_88 = arith.constant 0 : index
    %get3A_89 = arith.constant 640 : index
    %get3A_90 = vector.load %arg2[%get3A_87, %get3A_88, %get3A_89] : memref<1x1000x2560xf32, #tpu.memory_space<vmem>>, vector<1x1000x128xf32>
    %get3A_91 = vector.shape_cast %get3A_90 : vector<1x1000x128xf32> to vector<1000x128xf32>
    %swap3A_92 = arith.constant 0 : index
    %swap3A_93 = arith.constant 0 : index
    %swap3A_94 = arith.constant 800 : index
    %swap3A_95 = vector.load %arg4[%swap3A_92, %swap3A_93, %swap3A_94] : memref<1x1000x3200xf32, #tpu.memory_space<vmem>>, vector<1x1000x128xf32>
    %swap3A_96 = vector.shape_cast %swap3A_95 : vector<1x1000x128xf32> to vector<1000x128xf32>
    %swap3A_97 = vector.shape_cast %get3A_91 : vector<1000x128xf32> to vector<1x1000x128xf32>
    tpu.vector_store %arg4[%swap3A_92, %swap3A_93, %swap3A_94], %swap3A_97 {strides = array<i32>} : memref<1x1000x3200xf32, #tpu.memory_space<vmem>>, vector<1x1000x128xf32>,
    %swap3A_98 = arith.constant 0 : index
    %swap3A_99 = arith.constant 0 : index
    %swap3A_100 = arith.constant 928 : index
    %swap3A_101 = vector.load %arg4[%swap3A_98, %swap3A_99, %swap3A_100] : memref<1x1000x3200xf32, #tpu.memory_space<vmem>>, vector<1x1000x32xf32>
    %swap3A_102 = vector.shape_cast %swap3A_101 : vector<1x1000x32xf32> to vector<1000x32xf32>
    %swap3A_103 = vector.shape_cast %squeeze3A : vector<1000x32xf32> to vector<1x1000x32xf32>
    tpu.vector_store %arg4[%swap3A_98, %swap3A_99, %swap3A_100], %swap3A_103 {strides = array<i32>} : memref<1x1000x3200xf32, #tpu.memory_space<vmem>>, vector<1x1000x32xf32>,
    %get3A_104 = arith.constant 0 : index
    %get3A_105 = arith.constant 0 : index
    %get3A_106 = arith.constant 768 : index
    %get3A_107 = vector.load %arg2[%get3A_104, %get3A_105, %get3A_106] : memref<1x1000x2560xf32, #tpu.memory_space<vmem>>, vector<1x1000x128xf32>
    %get3A_108 = vector.shape_cast %get3A_107 : vector<1x1000x128xf32> to vector<1000x128xf32>
    %swap3A_109 = arith.constant 0 : index
    %swap3A_110 = arith.constant 0 : index
    %swap3A_111 = arith.constant 960 : index
    %swap3A_112 = vector.load %arg4[%swap3A_109, %swap3A_110, %swap3A_111] : memref<1x1000x3200xf32, #tpu.memory_space<vmem>>, vector<1x1000x128xf32>
    %swap3A_113 = vector.shape_cast %swap3A_112 : vector<1x1000x128xf32> to vector<1000x128xf32>
    %swap3A_114 = vector.shape_cast %get3A_108 : vector<1000x128xf32> to vector<1x1000x128xf32>
    tpu.vector_store %arg4[%swap3A_109, %swap3A_110, %swap3A_111], %swap3A_114 {strides = array<i32>} : memref<1x1000x3200xf32, #tpu.memory_space<vmem>>, vector<1x1000x128xf32>,
    %swap3A_115 = arith.constant 0 : index
    %swap3A_116 = arith.constant 0 : index
    %swap3A_117 = arith.constant 1088 : index
    %swap3A_118 = vector.load %arg4[%swap3A_115, %swap3A_116, %swap3A_117] : memref<1x1000x3200xf32, #tpu.memory_space<vmem>>, vector<1x1000x32xf32>
    %swap3A_119 = vector.shape_cast %swap3A_118 : vector<1x1000x32xf32> to vector<1000x32xf32>
    %swap3A_120 = vector.shape_cast %squeeze3A : vector<1000x32xf32> to vector<1x1000x32xf32>
    tpu.vector_store %arg4[%swap3A_115, %swap3A_116, %swap3A_117], %swap3A_120 {strides = array<i32>} : memref<1x1000x3200xf32, #tpu.memory_space<vmem>>, vector<1x1000x32xf32>,
    %get3A_121 = arith.constant 0 : index
    %get3A_122 = arith.constant 0 : index
    %get3A_123 = arith.constant 896 : index
    %get3A_124 = vector.load %arg2[%get3A_121, %get3A_122, %get3A_123] : memref<1x1000x2560xf32, #tpu.memory_space<vmem>>, vector<1x1000x128xf32>
    %get3A_125 = vector.shape_cast %get3A_124 : vector<1x1000x128xf32> to vector<1000x128xf32>
    %swap3A_126 = arith.constant 0 : index
    %swap3A_127 = arith.constant 0 : index
    %swap3A_128 = arith.constant 1120 : index
    %swap3A_129 = vector.load %arg4[%swap3A_126, %swap3A_127, %swap3A_128] : memref<1x1000x3200xf32, #tpu.memory_space<vmem>>, vector<1x1000x128xf32>
    %swap3A_130 = vector.shape_cast %swap3A_129 : vector<1x1000x128xf32> to vector<1000x128xf32>
    %swap3A_131 = vector.shape_cast %get3A_125 : vector<1000x128xf32> to vector<1x1000x128xf32>
    tpu.vector_store %arg4[%swap3A_126, %swap3A_127, %swap3A_128], %swap3A_131 {strides = array<i32>} : memref<1x1000x3200xf32, #tpu.memory_space<vmem>>, vector<1x1000x128xf32>,
    %swap3A_132 = arith.constant 0 : index
    %swap3A_133 = arith.constant 0 : index
    %swap3A_134 = arith.constant 1248 : index
    %swap3A_135 = vector.load %arg4[%swap3A_132, %swap3A_133, %swap3A_134] : memref<1x1000x3200xf32, #tpu.memory_space<vmem>>, vector<1x1000x32xf32>
    %swap3A_136 = vector.shape_cast %swap3A_135 : vector<1x1000x32xf32> to vector<1000x32xf32>
    %swap3A_137 = vector.shape_cast %squeeze3A : vector<1000x32xf32> to vector<1x1000x32xf32>
    tpu.vector_store %arg4[%swap3A_132, %swap3A_133, %swap3A_134], %swap3A_137 {strides = array<i32>} : memref<1x1000x3200xf32, #tpu.memory_space<vmem>>, vector<1x1000x32xf32>,
    %get3A_138 = arith.constant 0 : index
    %get3A_139 = arith.constant 0 : index
    %get3A_140 = arith.constant 1024 : index
    %get3A_141 = vector.load %arg2[%get3A_138, %get3A_139, %get3A_140] : memref<1x1000x2560xf32, #tpu.memory_space<vmem>>, vector<1x1000x128xf32>
    %get3A_142 = vector.shape_cast %get3A_141 : vector<1x1000x128xf32> to vector<1000x128xf32>
    %swap3A_143 = arith.constant 0 : index
    %swap3A_144 = arith.constant 0 : index
    %swap3A_145 = arith.constant 1280 : index
    %swap3A_146 = vector.load %arg4[%swap3A_143, %swap3A_144, %swap3A_145] : memref<1x1000x3200xf32, #tpu.memory_space<vmem>>, vector<1x1000x128xf32>
    %swap3A_147 = vector.shape_cast %swap3A_146 : vector<1x1000x128xf32> to vector<1000x128xf32>
    %swap3A_148 = vector.shape_cast %get3A_142 : vector<1000x128xf32> to vector<1x1000x128xf32>
    tpu.vector_store %arg4[%swap3A_143, %swap3A_144, %swap3A_145], %swap3A_148 {strides = array<i32>} : memref<1x1000x3200xf32, #tpu.memory_space<vmem>>, vector<1x1000x128xf32>,
    %swap3A_149 = arith.constant 0 : index
    %swap3A_150 = arith.constant 0 : index
    %swap3A_151 = arith.constant 1408 : index
    %swap3A_152 = vector.load %arg4[%swap3A_149, %swap3A_150, %swap3A_151] : memref<1x1000x3200xf32, #tpu.memory_space<vmem>>, vector<1x1000x32xf32>
    %swap3A_153 = vector.shape_cast %swap3A_152 : vector<1x1000x32xf32> to vector<1000x32xf32>
    %swap3A_154 = vector.shape_cast %squeeze3A : vector<1000x32xf32> to vector<1x1000x32xf32>
    tpu.vector_store %arg4[%swap3A_149, %swap3A_150, %swap3A_151], %swap3A_154 {strides = array<i32>} : memref<1x1000x3200xf32, #tpu.memory_space<vmem>>, vector<1x1000x32xf32>,
    %get3A_155 = arith.constant 0 : index
    %get3A_156 = arith.constant 0 : index
    %get3A_157 = arith.constant 1152 : index
    %get3A_158 = vector.load %arg2[%get3A_155, %get3A_156, %get3A_157] : memref<1x1000x2560xf32, #tpu.memory_space<vmem>>, vector<1x1000x128xf32>
    %get3A_159 = vector.shape_cast %get3A_158 : vector<1x1000x128xf32> to vector<1000x128xf32>
    %swap3A_160 = arith.constant 0 : index
    %swap3A_161 = arith.constant 0 : index
    %swap3A_162 = arith.constant 1440 : index
    %swap3A_163 = vector.load %arg4[%swap3A_160, %swap3A_161, %swap3A_162] : memref<1x1000x3200xf32, #tpu.memory_space<vmem>>, vector<1x1000x128xf32>
    %swap3A_164 = vector.shape_cast %swap3A_163 : vector<1x1000x128xf32> to vector<1000x128xf32>
    %swap3A_165 = vector.shape_cast %get3A_159 : vector<1000x128xf32> to vector<1x1000x128xf32>
    tpu.vector_store %arg4[%swap3A_160, %swap3A_161, %swap3A_162], %swap3A_165 {strides = array<i32>} : memref<1x1000x3200xf32, #tpu.memory_space<vmem>>, vector<1x1000x128xf32>,
    %swap3A_166 = arith.constant 0 : index
    %swap3A_167 = arith.constant 0 : index
    %swap3A_168 = arith.constant 1568 : index
    %swap3A_169 = vector.load %arg4[%swap3A_166, %swap3A_167, %swap3A_168] : memref<1x1000x3200xf32, #tpu.memory_space<vmem>>, vector<1x1000x32xf32>
    %swap3A_170 = vector.shape_cast %swap3A_169 : vector<1x1000x32xf32> to vector<1000x32xf32>
    %swap3A_171 = vector.shape_cast %squeeze3A : vector<1000x32xf32> to vector<1x1000x32xf32>
    tpu.vector_store %arg4[%swap3A_166, %swap3A_167, %swap3A_168], %swap3A_171 {strides = array<i32>} : memref<1x1000x3200xf32, #tpu.memory_space<vmem>>, vector<1x1000x32xf32>,
    %get3A_172 = arith.constant 0 : index
    %get3A_173 = arith.constant 0 : index
    %get3A_174 = arith.constant 1280 : index
    %get3A_175 = vector.load %arg2[%get3A_172, %get3A_173, %get3A_174] : memref<1x1000x2560xf32, #tpu.memory_space<vmem>>, vector<1x1000x128xf32>
    %get3A_176 = vector.shape_cast %get3A_175 : vector<1x1000x128xf32> to vector<1000x128xf32>
    %swap3A_177 = arith.constant 0 : index
    %swap3A_178 = arith.constant 0 : index
    %swap3A_179 = arith.constant 1600 : index
    %swap3A_180 = vector.load %arg4[%swap3A_177, %swap3A_178, %swap3A_179] : memref<1x1000x3200xf32, #tpu.memory_space<vmem>>, vector<1x1000x128xf32>
    %swap3A_181 = vector.shape_cast %swap3A_180 : vector<1x1000x128xf32> to vector<1000x128xf32>
    %swap3A_182 = vector.shape_cast %get3A_176 : vector<1000x128xf32> to vector<1x1000x128xf32>
    tpu.vector_store %arg4[%swap3A_177, %swap3A_178, %swap3A_179], %swap3A_182 {strides = array<i32>} : memref<1x1000x3200xf32, #tpu.memory_space<vmem>>, vector<1x1000x128xf32>,
    %swap3A_183 = arith.constant 0 : index
    %swap3A_184 = arith.constant 0 : index
    %swap3A_185 = arith.constant 1728 : index
    %swap3A_186 = vector.load %arg4[%swap3A_183, %swap3A_184, %swap3A_185] : memref<1x1000x3200xf32, #tpu.memory_space<vmem>>, vector<1x1000x32xf32>
    %swap3A_187 = vector.shape_cast %swap3A_186 : vector<1x1000x32xf32> to vector<1000x32xf32>
    %swap3A_188 = vector.shape_cast %squeeze3A : vector<1000x32xf32> to vector<1x1000x32xf32>
    tpu.vector_store %arg4[%swap3A_183, %swap3A_184, %swap3A_185], %swap3A_188 {strides = array<i32>} : memref<1x1000x3200xf32, #tpu.memory_space<vmem>>, vector<1x1000x32xf32>,
    %get3A_189 = arith.constant 0 : index
    %get3A_190 = arith.constant 0 : index
    %get3A_191 = arith.constant 1408 : index
    %get3A_192 = vector.load %arg2[%get3A_189, %get3A_190, %get3A_191] : memref<1x1000x2560xf32, #tpu.memory_space<vmem>>, vector<1x1000x128xf32>
    %get3A_193 = vector.shape_cast %get3A_192 : vector<1x1000x128xf32> to vector<1000x128xf32>
    %swap3A_194 = arith.constant 0 : index
    %swap3A_195 = arith.constant 0 : index
    %swap3A_196 = arith.constant 1760 : index
    %swap3A_197 = vector.load %arg4[%swap3A_194, %swap3A_195, %swap3A_196] : memref<1x1000x3200xf32, #tpu.memory_space<vmem>>, vector<1x1000x128xf32>
    %swap3A_198 = vector.shape_cast %swap3A_197 : vector<1x1000x128xf32> to vector<1000x128xf32>
    %swap3A_199 = vector.shape_cast %get3A_193 : vector<1000x128xf32> to vector<1x1000x128xf32>
    tpu.vector_store %arg4[%swap3A_194, %swap3A_195, %swap3A_196], %swap3A_199 {strides = array<i32>} : memref<1x1000x3200xf32, #tpu.memory_space<vmem>>, vector<1x1000x128xf32>,
    %swap3A_200 = arith.constant 0 : index
    %swap3A_201 = arith.constant 0 : index
    %swap3A_202 = arith.constant 1888 : index
    %swap3A_203 = vector.load %arg4[%swap3A_200, %swap3A_201, %swap3A_202] : memref<1x1000x3200xf32, #tpu.memory_space<vmem>>, vector<1x1000x32xf32>
    %swap3A_204 = vector.shape_cast %swap3A_203 : vector<1x1000x32xf32> to vector<1000x32xf32>
    %swap3A_205 = vector.shape_cast %squeeze3A : vector<1000x32xf32> to vector<1x1000x32xf32>
    tpu.vector_store %arg4[%swap3A_200, %swap3A_201, %swap3A_202], %swap3A_205 {strides = array<i32>} : memref<1x1000x3200xf32, #tpu.memory_space<vmem>>, vector<1x1000x32xf32>,
    %get3A_206 = arith.constant 0 : index
    %get3A_207 = arith.constant 0 : index
    %get3A_208 = arith.constant 1536 : index
    %get3A_209 = vector.load %arg2[%get3A_206, %get3A_207, %get3A_208] : memref<1x1000x2560xf32, #tpu.memory_space<vmem>>, vector<1x1000x128xf32>
    %get3A_210 = vector.shape_cast %get3A_209 : vector<1x1000x128xf32> to vector<1000x128xf32>
    %swap3A_211 = arith.constant 0 : index
    %swap3A_212 = arith.constant 0 : index
    %swap3A_213 = arith.constant 1920 : index
    %swap3A_214 = vector.load %arg4[%swap3A_211, %swap3A_212, %swap3A_213] : memref<1x1000x3200xf32, #tpu.memory_space<vmem>>, vector<1x1000x128xf32>
    %swap3A_215 = vector.shape_cast %swap3A_214 : vector<1x1000x128xf32> to vector<1000x128xf32>
    %swap3A_216 = vector.shape_cast %get3A_210 : vector<1000x128xf32> to vector<1x1000x128xf32>
    tpu.vector_store %arg4[%swap3A_211, %swap3A_212, %swap3A_213], %swap3A_216 {strides = array<i32>} : memref<1x1000x3200xf32, #tpu.memory_space<vmem>>, vector<1x1000x128xf32>,
    %swap3A_217 = arith.constant 0 : index
    %swap3A_218 = arith.constant 0 : index
    %swap3A_219 = arith.constant 2048 : index
    %swap3A_220 = vector.load %arg4[%swap3A_217, %swap3A_218, %swap3A_219] : memref<1x1000x3200xf32, #tpu.memory_space<vmem>>, vector<1x1000x32xf32>
    %swap3A_221 = vector.shape_cast %swap3A_220 : vector<1x1000x32xf32> to vector<1000x32xf32>
    %swap3A_222 = vector.shape_cast %squeeze3A : vector<1000x32xf32> to vector<1x1000x32xf32>
    tpu.vector_store %arg4[%swap3A_217, %swap3A_218, %swap3A_219], %swap3A_222 {strides = array<i32>} : memref<1x1000x3200xf32, #tpu.memory_space<vmem>>, vector<1x1000x32xf32>,
    %get3A_223 = arith.constant 0 : index
    %get3A_224 = arith.constant 0 : index
    %get3A_225 = arith.constant 1664 : index
    %get3A_226 = vector.load %arg2[%get3A_223, %get3A_224, %get3A_225] : memref<1x1000x2560xf32, #tpu.memory_space<vmem>>, vector<1x1000x128xf32>
    %get3A_227 = vector.shape_cast %get3A_226 : vector<1x1000x128xf32> to vector<1000x128xf32>
    %swap3A_228 = arith.constant 0 : index
    %swap3A_229 = arith.constant 0 : index
    %swap3A_230 = arith.constant 2080 : index
    %swap3A_231 = vector.load %arg4[%swap3A_228, %swap3A_229, %swap3A_230] : memref<1x1000x3200xf32, #tpu.memory_space<vmem>>, vector<1x1000x128xf32>
    %swap3A_232 = vector.shape_cast %swap3A_231 : vector<1x1000x128xf32> to vector<1000x128xf32>
    %swap3A_233 = vector.shape_cast %get3A_227 : vector<1000x128xf32> to vector<1x1000x128xf32>
    tpu.vector_store %arg4[%swap3A_228, %swap3A_229, %swap3A_230], %swap3A_233 {strides = array<i32>} : memref<1x1000x3200xf32, #tpu.memory_space<vmem>>, vector<1x1000x128xf32>,
    %swap3A_234 = arith.constant 0 : index
    %swap3A_235 = arith.constant 0 : index
    %swap3A_236 = arith.constant 2208 : index
    %swap3A_237 = vector.load %arg4[%swap3A_234, %swap3A_235, %swap3A_236] : memref<1x1000x3200xf32, #tpu.memory_space<vmem>>, vector<1x1000x32xf32>
    %swap3A_238 = vector.shape_cast %swap3A_237 : vector<1x1000x32xf32> to vector<1000x32xf32>
    %swap3A_239 = vector.shape_cast %squeeze3A : vector<1000x32xf32> to vector<1x1000x32xf32>
    tpu.vector_store %arg4[%swap3A_234, %swap3A_235, %swap3A_236], %swap3A_239 {strides = array<i32>} : memref<1x1000x3200xf32, #tpu.memory_space<vmem>>, vector<1x1000x32xf32>,
    %get3A_240 = arith.constant 0 : index
    %get3A_241 = arith.constant 0 : index
    %get3A_242 = arith.constant 1792 : index
    %get3A_243 = vector.load %arg2[%get3A_240, %get3A_241, %get3A_242] : memref<1x1000x2560xf32, #tpu.memory_space<vmem>>, vector<1x1000x128xf32>
    %get3A_244 = vector.shape_cast %get3A_243 : vector<1x1000x128xf32> to vector<1000x128xf32>
    %swap3A_245 = arith.constant 0 : index
    %swap3A_246 = arith.constant 0 : index
    %swap3A_247 = arith.constant 2240 : index
    %swap3A_248 = vector.load %arg4[%swap3A_245, %swap3A_246, %swap3A_247] : memref<1x1000x3200xf32, #tpu.memory_space<vmem>>, vector<1x1000x128xf32>
    %swap3A_249 = vector.shape_cast %swap3A_248 : vector<1x1000x128xf32> to vector<1000x128xf32>
    %swap3A_250 = vector.shape_cast %get3A_244 : vector<1000x128xf32> to vector<1x1000x128xf32>
    tpu.vector_store %arg4[%swap3A_245, %swap3A_246, %swap3A_247], %swap3A_250 {strides = array<i32>} : memref<1x1000x3200xf32, #tpu.memory_space<vmem>>, vector<1x1000x128xf32>,
    %swap3A_251 = arith.constant 0 : index
    %swap3A_252 = arith.constant 0 : index
    %swap3A_253 = arith.constant 2368 : index
    %swap3A_254 = vector.load %arg4[%swap3A_251, %swap3A_252, %swap3A_253] : memref<1x1000x3200xf32, #tpu.memory_space<vmem>>, vector<1x1000x32xf32>
    %swap3A_255 = vector.shape_cast %swap3A_254 : vector<1x1000x32xf32> to vector<1000x32xf32>
    %swap3A_256 = vector.shape_cast %squeeze3A : vector<1000x32xf32> to vector<1x1000x32xf32>
    tpu.vector_store %arg4[%swap3A_251, %swap3A_252, %swap3A_253], %swap3A_256 {strides = array<i32>} : memref<1x1000x3200xf32, #tpu.memory_space<vmem>>, vector<1x1000x32xf32>,
    %get3A_257 = arith.constant 0 : index
    %get3A_258 = arith.constant 0 : index
    %get3A_259 = arith.constant 1920 : index
    %get3A_260 = vector.load %arg2[%get3A_257, %get3A_258, %get3A_259] : memref<1x1000x2560xf32, #tpu.memory_space<vmem>>, vector<1x1000x128xf32>
    %get3A_261 = vector.shape_cast %get3A_260 : vector<1x1000x128xf32> to vector<1000x128xf32>
    %swap3A_262 = arith.constant 0 : index
    %swap3A_263 = arith.constant 0 : index
    %swap3A_264 = arith.constant 2400 : index
    %swap3A_265 = vector.load %arg4[%swap3A_262, %swap3A_263, %swap3A_264] : memref<1x1000x3200xf32, #tpu.memory_space<vmem>>, vector<1x1000x128xf32>
    %swap3A_266 = vector.shape_cast %swap3A_265 : vector<1x1000x128xf32> to vector<1000x128xf32>
    %swap3A_267 = vector.shape_cast %get3A_261 : vector<1000x128xf32> to vector<1x1000x128xf32>
    tpu.vector_store %arg4[%swap3A_262, %swap3A_263, %swap3A_264], %swap3A_267 {strides = array<i32>} : memref<1x1000x3200xf32, #tpu.memory_space<vmem>>, vector<1x1000x128xf32>,
    %swap3A_268 = arith.constant 0 : index
    %swap3A_269 = arith.constant 0 : index
    %swap3A_270 = arith.constant 2528 : index
    %swap3A_271 = vector.load %arg4[%swap3A_268, %swap3A_269, %swap3A_270] : memref<1x1000x3200xf32, #tpu.memory_space<vmem>>, vector<1x1000x32xf32>
    %swap3A_272 = vector.shape_cast %swap3A_271 : vector<1x1000x32xf32> to vector<1000x32xf32>
    %swap3A_273 = vector.shape_cast %squeeze3A : vector<1000x32xf32> to vector<1x1000x32xf32>
    tpu.vector_store %arg4[%swap3A_268, %swap3A_269, %swap3A_270], %swap3A_273 {strides = array<i32>} : memref<1x1000x3200xf32, #tpu.memory_space<vmem>>, vector<1x1000x32xf32>,
    %get3A_274 = arith.constant 0 : index
    %get3A_275 = arith.constant 0 : index
    %get3A_276 = arith.constant 2048 : index
    %get3A_277 = vector.load %arg2[%get3A_274, %get3A_275, %get3A_276] : memref<1x1000x2560xf32, #tpu.memory_space<vmem>>, vector<1x1000x128xf32>
    %get3A_278 = vector.shape_cast %get3A_277 : vector<1x1000x128xf32> to vector<1000x128xf32>
    %swap3A_279 = arith.constant 0 : index
    %swap3A_280 = arith.constant 0 : index
    %swap3A_281 = arith.constant 2560 : index
    %swap3A_282 = vector.load %arg4[%swap3A_279, %swap3A_280, %swap3A_281] : memref<1x1000x3200xf32, #tpu.memory_space<vmem>>, vector<1x1000x128xf32>
    %swap3A_283 = vector.shape_cast %swap3A_282 : vector<1x1000x128xf32> to vector<1000x128xf32>
    %swap3A_284 = vector.shape_cast %get3A_278 : vector<1000x128xf32> to vector<1x1000x128xf32>
    tpu.vector_store %arg4[%swap3A_279, %swap3A_280, %swap3A_281], %swap3A_284 {strides = array<i32>} : memref<1x1000x3200xf32, #tpu.memory_space<vmem>>, vector<1x1000x128xf32>,
    %swap3A_285 = arith.constant 0 : index
    %swap3A_286 = arith.constant 0 : index
    %swap3A_287 = arith.constant 2688 : index
    %swap3A_288 = vector.load %arg4[%swap3A_285, %swap3A_286, %swap3A_287] : memref<1x1000x3200xf32, #tpu.memory_space<vmem>>, vector<1x1000x32xf32>
    %swap3A_289 = vector.shape_cast %swap3A_288 : vector<1x1000x32xf32> to vector<1000x32xf32>
    %swap3A_290 = vector.shape_cast %squeeze3A : vector<1000x32xf32> to vector<1x1000x32xf32>
    tpu.vector_store %arg4[%swap3A_285, %swap3A_286, %swap3A_287], %swap3A_290 {strides = array<i32>} : memref<1x1000x3200xf32, #tpu.memory_space<vmem>>, vector<1x1000x32xf32>,
    %get3A_291 = arith.constant 0 : index
    %get3A_292 = arith.constant 0 : index
    %get3A_293 = arith.constant 2176 : index
    %get3A_294 = vector.load %arg2[%get3A_291, %get3A_292, %get3A_293] : memref<1x1000x2560xf32, #tpu.memory_space<vmem>>, vector<1x1000x128xf32>
    %get3A_295 = vector.shape_cast %get3A_294 : vector<1x1000x128xf32> to vector<1000x128xf32>
    %swap3A_296 = arith.constant 0 : index
    %swap3A_297 = arith.constant 0 : index
    %swap3A_298 = arith.constant 2720 : index
    %swap3A_299 = vector.load %arg4[%swap3A_296, %swap3A_297, %swap3A_298] : memref<1x1000x3200xf32, #tpu.memory_space<vmem>>, vector<1x1000x128xf32>
    %swap3A_300 = vector.shape_cast %swap3A_299 : vector<1x1000x128xf32> to vector<1000x128xf32>
    %swap3A_301 = vector.shape_cast %get3A_295 : vector<1000x128xf32> to vector<1x1000x128xf32>
    tpu.vector_store %arg4[%swap3A_296, %swap3A_297, %swap3A_298], %swap3A_301 {strides = array<i32>} : memref<1x1000x3200xf32, #tpu.memory_space<vmem>>, vector<1x1000x128xf32>,
    %swap3A_302 = arith.constant 0 : index
    %swap3A_303 = arith.constant 0 : index
    %swap3A_304 = arith.constant 2848 : index
    %swap3A_305 = vector.load %arg4[%swap3A_302, %swap3A_303, %swap3A_304] : memref<1x1000x3200xf32, #tpu.memory_space<vmem>>, vector<1x1000x32xf32>
    %swap3A_306 = vector.shape_cast %swap3A_305 : vector<1x1000x32xf32> to vector<1000x32xf32>
    %swap3A_307 = vector.shape_cast %squeeze3A : vector<1000x32xf32> to vector<1x1000x32xf32>
    tpu.vector_store %arg4[%swap3A_302, %swap3A_303, %swap3A_304], %swap3A_307 {strides = array<i32>} : memref<1x1000x3200xf32, #tpu.memory_space<vmem>>, vector<1x1000x32xf32>,
    %get3A_308 = arith.constant 0 : index
    %get3A_309 = arith.constant 0 : index
    %get3A_310 = arith.constant 2304 : index
    %get3A_311 = vector.load %arg2[%get3A_308, %get3A_309, %get3A_310] : memref<1x1000x2560xf32, #tpu.memory_space<vmem>>, vector<1x1000x128xf32>
    %get3A_312 = vector.shape_cast %get3A_311 : vector<1x1000x128xf32> to vector<1000x128xf32>
    %swap3A_313 = arith.constant 0 : index
    %swap3A_314 = arith.constant 0 : index
    %swap3A_315 = arith.constant 2880 : index
    %swap3A_316 = vector.load %arg4[%swap3A_313, %swap3A_314, %swap3A_315] : memref<1x1000x3200xf32, #tpu.memory_space<vmem>>, vector<1x1000x128xf32>
    %swap3A_317 = vector.shape_cast %swap3A_316 : vector<1x1000x128xf32> to vector<1000x128xf32>
    %swap3A_318 = vector.shape_cast %get3A_312 : vector<1000x128xf32> to vector<1x1000x128xf32>
    tpu.vector_store %arg4[%swap3A_313, %swap3A_314, %swap3A_315], %swap3A_318 {strides = array<i32>} : memref<1x1000x3200xf32, #tpu.memory_space<vmem>>, vector<1x1000x128xf32>,
    %swap3A_319 = arith.constant 0 : index
    %swap3A_320 = arith.constant 0 : index
    %swap3A_321 = arith.constant 3008 : index
    %swap3A_322 = vector.load %arg4[%swap3A_319, %swap3A_320, %swap3A_321] : memref<1x1000x3200xf32, #tpu.memory_space<vmem>>, vector<1x1000x32xf32>
    %swap3A_323 = vector.shape_cast %swap3A_322 : vector<1x1000x32xf32> to vector<1000x32xf32>
    %swap3A_324 = vector.shape_cast %squeeze3A : vector<1000x32xf32> to vector<1x1000x32xf32>
    tpu.vector_store %arg4[%swap3A_319, %swap3A_320, %swap3A_321], %swap3A_324 {strides = array<i32>} : memref<1x1000x3200xf32, #tpu.memory_space<vmem>>, vector<1x1000x32xf32>,
    %get3A_325 = arith.constant 0 : index
    %get3A_326 = arith.constant 0 : index
    %get3A_327 = arith.constant 2432 : index
    %get3A_328 = vector.load %arg2[%get3A_325, %get3A_326, %get3A_327] : memref<1x1000x2560xf32, #tpu.memory_space<vmem>>, vector<1x1000x128xf32>
    %get3A_329 = vector.shape_cast %get3A_328 : vector<1x1000x128xf32> to vector<1000x128xf32>
    %swap3A_330 = arith.constant 0 : index
    %swap3A_331 = arith.constant 0 : index
    %swap3A_332 = arith.constant 3040 : index
    %swap3A_333 = vector.load %arg4[%swap3A_330, %swap3A_331, %swap3A_332] : memref<1x1000x3200xf32, #tpu.memory_space<vmem>>, vector<1x1000x128xf32>
    %swap3A_334 = vector.shape_cast %swap3A_333 : vector<1x1000x128xf32> to vector<1000x128xf32>
    %swap3A_335 = vector.shape_cast %get3A_329 : vector<1000x128xf32> to vector<1x1000x128xf32>
    tpu.vector_store %arg4[%swap3A_330, %swap3A_331, %swap3A_332], %swap3A_335 {strides = array<i32>} : memref<1x1000x3200xf32, #tpu.memory_space<vmem>>, vector<1x1000x128xf32>,
    %swap3A_336 = arith.constant 0 : index
    %swap3A_337 = arith.constant 0 : index
    %swap3A_338 = arith.constant 3168 : index
    %swap3A_339 = vector.load %arg4[%swap3A_336, %swap3A_337, %swap3A_338] : memref<1x1000x3200xf32, #tpu.memory_space<vmem>>, vector<1x1000x32xf32>
    %swap3A_340 = vector.shape_cast %swap3A_339 : vector<1x1000x32xf32> to vector<1000x32xf32>
    %swap3A_341 = vector.shape_cast %squeeze3A : vector<1000x32xf32> to vector<1x1000x32xf32>
    tpu.vector_store %arg4[%swap3A_336, %swap3A_337, %swap3A_338], %swap3A_341 {strides = array<i32>} : memref<1x1000x3200xf32, #tpu.memory_space<vmem>>, vector<1x1000x32xf32>,
    return
  }
  func.func @transform_0(%arg0: i32, %arg1: i32) -> (i32, i32, i32) {
    %c0_i32 = arith.constant 0 : i32
    %c0_i32_0 = arith.constant 0 : i32
    return %arg0, %arg1, %c0_i32 : i32, i32, i32
  }
  func.func @transform_1(%arg0: i32, %arg1: i32) -> (i32, i32, i32) {
    %c0_i32 = arith.constant 0 : i32
    %c0_i32_0 = arith.constant 0 : i32
    %c0_i32_1 = arith.constant 0 : i32
    return %arg1, %c0_i32, %c0_i32_0 : i32, i32, i32
  }
  func.func @transform_2(%arg0: i32, %arg1: i32) -> (i32, i32, i32) {
    %c0_i32 = arith.constant 0 : i32
    %c0_i32_0 = arith.constant 0 : i32
    return %arg0, %arg1, %c0_i32 : i32, i32, i32
  }
}

</mosaic_0001>

<sc_bundles>
// kernel: kernel.4.cloned.1.call-start
scs
__scs_entry_jumppad:
0x0: {  	(pc) =	sbr.rel $0x88, $3  }
0x1: {  	(tag) =	ssettag $0x0;
	lr =	simm.s32 $0x1  }
0x2: {  	[smem:$0x3F9E] =	sst lr;
	_ =	strace $0xD0000000  }
0x3: {  	_ = 	snop  }
0x4: {  	_ = 	snop  }
0x5: {  	_ = 	snop  }
0x6: {  	_ = 	snop  }
0x7: {  	_ = 	snop  }
__scs_overlays_trampoline_lowered:
0x8: {  	[smem:$0x3FAD] =	sst s0  }
0x9: {  	[smem:$0x3FAE] =	sst s1  }
0xa: {  	[smem:$0x3FAF] =	sst s2  }
0xb: {  	[smem:$0x3FB0] =	sst s3  }
0xc: {  	[smem:$0x3FB1] =	sst s4  }
0xd: {  	[smem:$0x3FB2] =	sst s5  }
0xe: {  	[smem:$0x3FB3] =	sst s6  }
0xf: {  	[smem:$0x3FB4] =	sst s7  }
0x10: {  	[smem:$0x3FB5] =	sst s8  }
0x11: {  	[smem:$0x3FB6] =	sst s9;
	s0 =	simm.s32 @!p0 $0x0  }
0x12: {  	s1 =	sld [smem:$0x3F9C];
	s0 =	simm.s32 @p0 $0x1  }
0x13: {  	[smem:$0x3FB7] =	sst s0;
	s0 =	simm.s32 @!p1 $0x0  }
0x14: {  	s2 =	sld [smem:$0x3F9B];
	s0 =	simm.s32 @p1 $0x1  }
0x15: {  	[smem:$0x3FB8] =	sst s0;
	s0 =	simm.s32 @!p2 $0x0  }
0x16: {  	s3 =	sld [smem:$0x3FDB];
	s0 =	simm.s32 @p2 $0x1  }
0x17: {  	s4 =	simm.s32 $0x1BF5;
	[smem:$0x3FBA] =	sst s0  }
0x18: {  	s0 =	sld [smem:$0x3F9D];
	_ =	swait.ge [sflag:s4], $0x0  }
0x19: {  	s7 =	sld [smem:$0x3F9E]  }
0x1a: {  	s8 =	sadd.s32 $0xFFFFE003, lr  }
0x1b: {  	s9 =	sadd.s32 $0xFFFFFEF7, lr;
	s5 =	simm.s32 $0xFFFFFFFF;
	p2 =	slt.u32 s8, $0xFFFFF086  }
0x1c: {  	p1 =	slt.u32 s9, $0xF7A;
	s5 =	simm.s32 @!p2 $0x0  }
0x1d: {  	s5 =	simm.s32 @p1 $0x1;
	p0 =	seq.s32 s7, s2  }
0x1e: {  	s7 =	smul.u32 @!p0 $0xF7A, s2;
	p2 =	seq.s32 @!p0 s5, $0x0  }
0x1f: {  	s9 =	smul.u32 $0xF7A, s1;
	s8 =	simm.s32 @!p0 $0x1BF5;
	p2 =	por !p2, p0  }
0x20: {  	[sflag:s8] =	ssyncset.s32 @!p0 $0xFFFFF086;
	s6 =	sadd.s32 @!p0 s3, s7;
	s7 =	simm.s32 @!p0 $0x108  }
0x21: {  	s3 =	sadd.s32 s3, s9;
	s6 =	sadd.s32 @!p0 $0x88, s6;
	s7 =	simm.s32 @p2 $0x1082  }
0x22: {  	[simem:s7], [sflag:s8] =	dma.local @!p0 [hbm:s6], $0xF7A  }
0x23: {  	s9 =	sor.u32 $0xD0000000, s2;
	s6 =	simm.s32 $0x108;
	_ =	swait.ge @!p0 [sflag:s8], $0x0  }
0x24: {  	s3 =	sadd.s32 $0x88, s3;
	s6 =	simm.s32 @!p1 $0x1082;
	[sflag:s4] =	ssyncset.s32 $0xFFFFF086  }
0x25: {  	[simem:s6], [sflag:s4] =	dma.local [hbm:s3], $0xF7A  }
0x26: {  	[smem:$0x3F9E] =	sst s1;
	(tag) =	ssettag s2;
	_ =	strace s9  }
0x27: {  	s1 =	sld [smem:$0x3FAE]  }
0x28: {  	s2 =	sld [smem:$0x3FAF]  }
0x29: {  	s4 =	sld [smem:$0x3FB1]  }
0x2a: {  	p0 =	seq.s32 s5, $0x0;
	s5 =	sld [smem:$0x3FB2]  }
0x2b: {  	s6 =	sld [smem:$0x3FB3]  }
0x2c: {  	s7 =	sld [smem:$0x3FB4]  }
0x2d: {  	s3 =	simm.s32 $0x108;
	s8 =	sld [smem:$0x3FB5]  }
0x2e: {  	s3 =	simm.s32 @!p0 $0x1082;
	s9 =	sld [smem:$0x3FB6]  }
0x2f: {  	lr =	sadd.s32 s0, s3;
	s0 =	sld [smem:$0x3FAD]  }
0x30: {  	s3 =	sld [smem:$0x3FB0]  }
0x31: {  	[smem:$0x3FB9] =	sst s10  }
0x32: {  	s10 =	sld [smem:$0x3FB7];
	_ =	sdelay $0x3  }
0x33: {  	p0 =	seq.s32 s10, $0x1;
	s10 =	sld [smem:$0x3FB9];
	_ =	sdelay $0x3  }
0x34: {  	[smem:$0x3FB9] =	sst s10  }
0x35: {  	s10 =	sld [smem:$0x3FB8];
	_ =	sdelay $0x3  }
0x36: {  	p1 =	seq.s32 s10, $0x1;
	s10 =	sld [smem:$0x3FB9];
	_ =	sdelay $0x3  }
0x37: {  	[smem:$0x3FB9] =	sst s10  }
0x38: {  	s10 =	sld [smem:$0x3FBA]  }
0x39: {  	_ = 	snop;
	(pc) =	sbr.ind lr, $3  }
0x3a: {  	_ = 	snop  }
0x3b: {  	_ = 	snop  }
0x3c: {  	p2 =	seq.s32 s10, $0x1;
	s10 =	sld [smem:$0x3FB9]  }
0x3d: {  	_ =	shalt  }
0x3e: {  	_ =	shalt  }
0x3f: {  	_ =	shalt  }
0x40: {  	_ =	shalt  }
0x41: {  	_ =	shalt  }
0x42: {  	_ =	shalt  }
0x43: {  	_ =	shalt  }
0x44: {  	_ =	shalt  }
0x45: {  	_ =	shalt  }
0x46: {  	_ =	shalt  }
0x47: {  	_ =	shalt  }
0x48: {  	_ =	shalt  }
0x49: {  	_ =	shalt  }
0x4a: {  	_ =	shalt  }
0x4b: {  	_ =	shalt  }
0x4c: {  	_ =	shalt  }
0x4d: {  	_ =	shalt  }
0x4e: {  	_ =	shalt  }
0x4f: {  	_ =	shalt  }
0x50: {  	_ =	shalt  }
0x51: {  	_ =	shalt  }
0x52: {  	_ =	shalt  }
0x53: {  	_ =	shalt  }
0x54: {  	_ =	shalt  }
0x55: {  	_ =	shalt  }
0x56: {  	_ =	shalt  }
0x57: {  	_ =	shalt  }
0x58: {  	_ =	shalt  }
0x59: {  	_ =	shalt  }
0x5a: {  	_ =	shalt  }
0x5b: {  	_ =	shalt  }
0x5c: {  	_ =	shalt  }
0x5d: {  	_ =	shalt  }
0x5e: {  	_ =	shalt  }
0x5f: {  	_ =	shalt  }
0x60: {  	_ =	shalt  }
0x61: {  	_ =	shalt  }
0x62: {  	_ =	shalt  }
0x63: {  	_ =	shalt  }
0x64: {  	_ =	shalt  }
0x65: {  	_ =	shalt  }
0x66: {  	_ =	shalt  }
0x67: {  	_ =	shalt  }
0x68: {  	_ =	shalt  }
0x69: {  	_ =	shalt  }
0x6a: {  	_ =	shalt  }
0x6b: {  	_ =	shalt  }
0x6c: {  	_ =	shalt  }
0x6d: {  	_ =	shalt  }
0x6e: {  	_ =	shalt  }
0x6f: {  	_ =	shalt  }
0x70: {  	_ =	shalt  }
0x71: {  	_ =	shalt  }
0x72: {  	_ =	shalt  }
0x73: {  	_ =	shalt  }
0x74: {  	_ =	shalt  }
0x75: {  	_ =	shalt  }
0x76: {  	_ =	shalt  }
0x77: {  	_ =	shalt  }
0x78: {  	_ =	shalt  }
0x79: {  	_ =	shalt  }
0x7a: {  	_ =	shalt  }
0x7b: {  	_ =	shalt  }
0x7c: {  	_ =	shalt  }
0x7d: {  	_ =	shalt  }
0x7e: {  	_ =	shalt  }
0x7f: {  	_ =	shalt  }
0x80: {  	_ =	shalt  }
0x81: {  	_ =	shalt  }
0x82: {  	_ =	shalt  }
0x83: {  	_ =	shalt  }
0x84: {  	_ =	shalt  }
0x85: {  	_ =	shalt  }
0x86: {  	_ =	shalt  }
0x87: {  	_ =	shalt  }
.Lfunc_end0:
.L_simem_size_0:
called_computation_lowered:
.L_overlay_start_0:
0x88: {  	s2 =	sld [smem:$0x3FD9]  }
0x89: {  	s3 =	sld [smem:$0x3FFE];
	_ =	sdelay $0x1  }
0x8a: {  	s1 =	srdreg.scid  }
0x8b: {  	s0 =	sand.u32 $0x1, s1  }
0x8c: {  	s16 =	sshll.u32 s0, $0xA;
	s2 =	sadd.s32 s3, s2  }
0x8d: {  	s2 =	sadd.s32 s2, s16  }
0x8e: {  	[smem:$0x3FC5] =	sst s2  }
0x8f: {  	_ = 	snop  }
0x90: {  	(tm) =	ssettm $0x1  }
0x91: {  	s17 =	sld [smem:$0x3FFB];
	_ =	sdelay $0x3  }
0x92: {  	_ =	strace s17  }
0x93: {  	s2 =	sld [smem:$0x3FFC];
	_ =	sdelay $0x3  }
0x94: {  	_ =	strace s2  }
0x95: {  	s2 =	sld [smem:$0x3FFD];
	_ =	sdelay $0x3  }
0x96: {  	_ =	strace s2  }
0x97: {  	_ =	strace $0x8FFFFFFF  }
0x98: {  	s18 =	sld [smem:$0x3FDB];
	_ =	sdelay $0x1  }
0x99: {  	s19 =	simm.s32 $_scs_section_size  }
0x9a: {  	s4 =	simm.s32 $_size__tile_overlayer_lowered;
	s5 =	simm.s32 $_tile_overlayer_lowered  }
0x9b: {  	s22 =	simm.s32 $0x1BFF;
	s21 =	sshll.u32 s5, $0x1;
	s2 =	sadd.s32 s19, s18  }
0x9c: {  	s6 =	simm.s32 $0x0;
	s20 =	sshll.u32 s4, $0x1;
	s4 =	sadd.s32 s21, s2  }
0x9d: {  	[timem:s6], [sflag:s22] =	dma.local [hbm:s4], s20  }
0x9e: {  	_ =	swait.ge [sflag:s22], s20  }
0x9f: {  	s3 =	ssub.s32 $0x0, s20;
	[sflag:s22] =	ssyncset.done $0x0  }
0xa0: {  	[sflag:s22] =	ssyncadd.s32 s3;
	_ =	sdelay $0x1  }
0xa1: {  	s23 =	simm.s32 $0x1B8B  }
0xa2: {  	_ =	swait.ge [sflag:s23], $0x1  }
0xa3: {  	[sflag:s23] =	ssyncset.done $0x0  }
0xa4: {  	s25 =	simm.s32 $0x1B8E;
	s24 =	sld [smem:$0x3FFE];
	[sflag:s23] =	ssyncadd.s32 $0xFFFFFFFF  }
0xa5: {  	s26 =	simm.s32 $execute0_lowered;
	[smem:$0x3FD2] =	sst s25  }
0xa6: {  	s4 =	sshll.u32 s26, $0x1;
	_ =	strace $0x80000046;
	[dreg:$0x1] =	wrdreg $0xFFFFFFFF  }
0xa7: {  	s28 =	simm.s32 $_size_execute0_lowered;
	s2 =	sadd.s32 s2, s4;
	[dreg:$0x0] =	wrdreg $0x0  }
0xa8: {  	s4 =	sshll.u32 s28, $0x1;
	[dreg:$0x2] =	wrdreg s2  }
0xa9: {  	[dreg:$0x3] =	wrdreg s4  }
0xaa: {  	[dreg:$0x4] =	wrdreg $0xC0  }
0xab: {  	_ =	task [dreg:s6], $0x5FFFF  }
0xac: {  	[dreg:$0x1] =	wrdreg $0xFFFFFFFF  }
0xad: {  	[dreg:$0x0] =	wrdreg $0x60  }
0xae: {  	[dreg:$0x2] =	wrdreg s24  }
0xaf: {  	[dreg:$0x3] =	wrdreg $0x9  }
0xb0: {  	_ =	task.clear_ibuf [dreg:s6], $0x4FFFF;
	_ =	strace $0x90000046  }
0xb1: {  	s29 =	simm.s32 $0x9;
	_ =	strace $0x80000048  }
0xb2: {  	_ =	swait.ge [sflag:s29], $0x1  }
0xb3: {  	[sflag:s29] =	ssyncadd.s32 $0xFFFFFFFF  }
0xb4: {  	_ =	strace $0x90000048  }
0xb5: {  	_ =	sfence  }
0xb6: {  	s30 =	sld [smem:$0x0];
	_ =	sdelay $0x2  }
0xb7: {  	s31 =	sshll.u32 s1, $0xD;
	s1 =	sshrl.u32 s1, $0x2  }
0xb8: {  	s3 =	sand.u32 $0x4000, s31;
	s1 =	sadd.s32 s1, s30  }
0xb9: {  	s0 =	sor.u32 s3, s0;
	s1 =	sshll.u32 s1, $0x11  }
0xba: {  	s0 =	sor.u32 s1, s0  }
0xbb: {  	s0 =	sadd.s32 $0x8F2B, s0  }
0xbc: {  	[sflag:s0] =	ssyncadd.remote.s32 $0x1  }
0xbd: {  	_ =	sfence.sel $0xFFFF  }
0xbe: {  	[dreg:$0x0] =	wrdreg $0xFFFFFFFF;
	(pc) =	sbr.abs _section_cstart, $3  }
0xbf: {  	[dreg:$0x1] =	wrdreg $0xFFFFFFFF  }
0xc0: {  	_ =	task.clear_ibuf [dreg:s6], $0x2FFFF;
	_ =	strace $0x9FFFFFFF  }
0xc1: {  	(tm) =	ssettm $0x7FFFFFFF  }
tec
execute0_lowered:
.L_overlay_start_1:
0x0: {  	(tag) =	ssettag $0x1  }
0x1: {  	s1 =	srdreg.scid  }
0x2: {  	s0 =	stileid.u32;
	s6 =	sand.u32 $0x1, s1  }
0x3: {  	s8 =	rddreg [dreg:$0x0];
	s30 =	sshll.u32 s0, $0x6;
	s2 =	sshll.u32 s6, $0x5  }
0x4: {  	s7 =	simm.s32 $0x1;
	s1 =	rddreg [dreg:$0x1];
	s9 =	sor.u32 s2, s30  }
0x5: {  	s5 =	sadd.s32 $0x400, s8;
	s2 =	simm.s32 $0x0;
	s3 =	sshrl.u32 s9, $0x3  }
0x6: {  	s10 =	ssub.s32 $0x2, s6;
	[smem:$0x7FF] =	sst s2;
	s3 =	sadd.s32 s3, s8  }
0x7: {  	_ =	strace $0x80000047;
	s4 =	sadd.s32 $0x1400, s3;
	s3 =	simm.s32 $0x2  }
0x8: {  	[tilespmem:s2], [sflag:$0x2] =	stream.linear.gather [hbm4b:s4+s2], $0x20, $0x38;
	[tilespmem:$0x420] =	vst v63  }
0x9: {  	s6 =	simm.s32 $0x20;
	s11 =	sshrl.u32 s10, $0x1;
	_ =	swait.ge [sflag:s3], $0x20  }
0xa: {  	s9 =	sshll.u32 s9, $0x2;
	s31 =	ssub.s32 s10, s11;
	[sflag:s3] =	ssyncset.done $0x0  }
0xb: {  	s8 =	sadd.s32 s9, s8;
	s9 =	smax.u32 s31, $0x1;
	[sflag:s3] =	ssyncadd.s32 $0xFFFFFFE0  }
0xc: {  	[tilespmem:s6], [sflag:$0x1] =	stream.indirect.gather [hbm4b:s5+s6], $0x20, s2, s6, $0xb8;
	[tilespmem:$0x420] =	vst v63  }
0xd: {  	p0 =	sne.s32 s9, $0x1;
	_ =	swait.ge [sflag:s7], $0x400  }
.Ltmp0:
0xe: {  	[sflag:s7] =	ssyncset.done $0x0;
	(pc) =	sbr.rel @!p0 .LBB2_2-.Ltmp0, $4  }
0xf: {  	s8 =	sadd.s32 $0x1600, s8;
	[sflag:s7] =	ssyncadd.s32 $0xFFFFFC00  }
0x10: {  	[hbm4b:s8+s2] =	stream.linear.scatter [tilespmem:s6], [sflag:$0x2], $0x400, $0x38;
	[tilespmem:$0x420] =	vst v63  }
0x11: {  	_ =	swait.ge [sflag:s3], $0x400  }
0x12: {  	s9 =	sadd.s32 $0xFFFFFFFF, s9;
	[sflag:s3] =	ssyncset.done $0x0  }
.LBB2_1:
0x13: {  	p0 =	sne.s32 s9, $0x1;
	s9 =	sadd.s32 $0xFFFFFFFF, s9;
	[sflag:s3] =	ssyncadd.s32 $0xFFFFFC00  }
0x14: {  	[tilespmem:s2], [sflag:$0x2] =	stream.linear.gather [hbm4b:s4+s2], $0x20, $0x38;
	[tilespmem:$0x420] =	vst v63  }
0x15: {  	_ =	swait.ge [sflag:s3], $0x20  }
0x16: {  	[sflag:s3] =	ssyncset.done $0x0  }
0x17: {  	[sflag:s3] =	ssyncadd.s32 $0xFFFFFFE0  }
0x18: {  	[tilespmem:s6], [sflag:$0x1] =	stream.indirect.gather [hbm4b:s5+s6], $0x20, s2, s6, $0xb8;
	[tilespmem:$0x420] =	vst v63  }
0x19: {  	_ =	swait.ge [sflag:s7], $0x400  }
.Ltmp1:
0x1a: {  	[sflag:s7] =	ssyncset.done $0x0;
	(pc) =	sbr.rel @p0 .LBB2_1-.Ltmp1, $4  }
0x1b: {  	[sflag:s7] =	ssyncadd.s32 $0xFFFFFC00  }
0x1c: {  	[hbm4b:s8+s2] =	stream.linear.scatter [tilespmem:s6], [sflag:$0x2], $0x400, $0x38;
	[tilespmem:$0x420] =	vst v63  }
0x1d: {  	_ =	swait.ge [sflag:s3], $0x400  }
0x1e: {  	[sflag:s3] =	ssyncset.done $0x0  }
.LBB2_2:
0x1f: {  	[sflag:s3] =	ssyncadd.s32 $0xFFFFFC00  }
0x20: {  	_ =	sfence.sel $0x180000  }
0x21: {  	[bflag:$0x0] =	sbarrier.arrive $0xFFFF  }
0x22: {  	p0 =	sne.s32 s0, $0x0;
	_ =	strace $0x90000047  }
0x23: {  	s0 =	sadd.s32 @!p0 $0x100000, s1;
	[bflag:$0x2] =	sbarrier.arrive $0xFFFF  }
0x24: {  	[sflag:s0] =	ssyncadd.tile.s32 @!p0 $0x1;
	_ =	shalt  }
.Lfunc_end2:
_tile_overlayer_lowered:
.L_overlay_start_2:
0x25: {  	(tag) =	ssettag $0x2  }
0x26: {  	s0 =	rddreg [dreg:$0x0];
	s2 =	stileid.u32  }
0x27: {  	s1 =	rddreg [dreg:$0x1];
	p0 =	sne.s32 s2, $0x0  }
0x28: {  	s3 =	rddreg [dreg:$0x2];
	[bflag:$0x3] =	sbarrier.arrive $0xFFFF;
	s2 =	simm.s32 @!p0 $0x1C02  }
0x29: {  	[timem:s3], [sflag:s2] =	dma.local @!p0 [hbm:s0], s1  }
0x2a: {  	s0 =	simm.s32 @!p0 $0x2  }
0x2b: {  	_ =	swait.ge @!p0 [sflag:s0], s1  }
0x2c: {  	s1 =	ssub.s32 @!p0 $0x0, s1;
	[sflag:s0] =	ssyncset.done @!p0 $0x0  }
0x2d: {  	[sflag:s0] =	ssyncadd.s32 @!p0 s1  }
0x2e: {  	[bflag:$0x3] =	sbarrier.arrive $0xFFFF  }
0x2f: {  	_ =	shalt  }

</sc_bundles>
